<compile_context>
chip_gen: v7x
topology: tpu7x:2x2x1
jax: 0.10.2.dev20260603
libtpu: 0.0.44.dev20260713+nightly
codegen_flags: <defaults>
</compile_context>

<pallas_src>
import jax
import jax.numpy as jnp
from jax.experimental import pallas as pl
from jax.experimental.pallas import tpu as pltpu

_BKG = 15.0
_THRESH = 0.1

_ROWS = 1000
_GRID = 25
_BLOCK_ROWS = _ROWS // _GRID


def _pf_kernel(s_ref, x0_ref, x1_ref, x2_ref, out_ref, flag_ref, acc_ref):
    i = pl.program_id(0)

    @pl.when(i == 0)
    def _init():
        for j in range(8):
            acc_ref[0, j] = 0.0

    k = s_ref[0, 0]
    m1 = s_ref[0, 1]
    m2 = s_ref[0, 2]
    cst = s_ref[0, 3]

    x0 = x0_ref[...]
    x1 = x1_ref[...]
    x2 = x2_ref[...]

    d1 = x1 - m1
    d2 = x2 - m2
    r = d1 * d1 + d2 * d2
    lam = jnp.round(x0 * 10000.0 / r) + _BKG
    w = jnp.exp(k * jnp.log(lam) - lam - cst)

    acc_ref[0, 0] += jnp.sum(w)
    acc_ref[0, 1] += jnp.sum(w * w)
    acc_ref[0, 2] += jnp.sum(w * x0)
    acc_ref[0, 3] += jnp.sum(w * x1)
    acc_ref[0, 4] += jnp.sum(w * x2)

    @pl.when(i == _GRID - 1)
    def _done():
        s = acc_ref[0, 0]
        s2 = acc_ref[0, 1]
        n_eff = jnp.round(s * s / s2)
        n_total = s_ref[0, 4]
        out_ref[0, 0] = acc_ref[0, 2] / s
        out_ref[0, 1] = acc_ref[0, 3] / s
        out_ref[0, 2] = acc_ref[0, 4] / s
        flag_ref[0, 0] = jnp.where(n_eff < _THRESH * n_total, 1.0, 0.0)


def _pf_mean_and_flag(meas, xp):
    n = xp.shape[0]
    cols = n // _ROWS
    x0 = xp[:, 0].reshape(_ROWS, cols)
    x1 = xp[:, 1].reshape(_ROWS, cols)
    x2 = xp[:, 2].reshape(_ROWS, cols)
    k = meas[0]
    cst = k * jnp.log(k) - k
    params = jnp.stack(
        [k, meas[1], meas[2], cst, jnp.float32(n)]
    ).reshape(1, 5)

    blk = pl.BlockSpec((_BLOCK_ROWS, cols), lambda i: (i, 0))
    mean, flag = pl.pallas_call(
        _pf_kernel,
        grid=(_GRID,),
        in_specs=[
            pl.BlockSpec(memory_space=pltpu.SMEM),
            blk,
            blk,
            blk,
        ],
        out_specs=[
            pl.BlockSpec(memory_space=pltpu.SMEM),
            pl.BlockSpec(memory_space=pltpu.SMEM),
        ],
        out_shape=[
            jax.ShapeDtypeStruct((1, 4), jnp.float32),
            jax.ShapeDtypeStruct((1, 1), jnp.float32),
        ],
        scratch_shapes=[pltpu.SMEM((1, 8), jnp.float32)],
        compiler_params=pltpu.CompilerParams(
            dimension_semantics=("arbitrary",),
        ),
    )(params, x0, x1, x2)
    return mean, flag


def _poisson_logpmf(k, lam):
    from jax.scipy.special import gammaln, xlogy
    return xlogy(k, lam) - gammaln(k + 1.0) - lam


def _meas_lam(xp, meas):
    r = jnp.sum(jnp.square(xp[:, 1:] - meas[1:]), axis=1)
    return jnp.round(xp[:, 0] * 10000.0 / r) + _BKG


def _ssp_resample_idx(w, m, u):
    n = w.shape[0]
    mw = m * w
    nr = jnp.floor(mw).astype(jnp.int32)
    xi = mw - jnp.floor(mw)

    def body(kk, state):
        xi, nr, i, j = state
        delta_i = jnp.minimum(xi[j], 1.0 - xi[i])
        delta_j = jnp.minimum(xi[i], 1.0 - xi[j])
        s = delta_i + delta_j
        pj = jnp.where(s > 0.0, delta_i / jnp.where(s > 0.0, s, 1.0), 0.0)
        swap = u[kk] < pj
        i2 = jnp.where(swap, j, i)
        j2 = jnp.where(swap, i, j)
        delta = jnp.where(swap, delta_j, delta_i)
        grow = xi[j2] < 1.0 - xi[i2]
        xi = jnp.where(grow, xi.at[i2].add(delta), xi.at[j2].add(-delta))
        nr = jnp.where(grow, nr, nr.at[i2].add(1))
        i = jnp.where(grow, i2, (kk + 2).astype(jnp.int32))
        j = jnp.where(grow, (kk + 2).astype(jnp.int32), j2)
        return xi, nr, i, j

    xi, nr, i, j = jax.lax.fori_loop(
        0, n - 1, body, (xi, nr, jnp.int32(0), jnp.int32(1))
    )
    last_ij = jnp.where(j == n, i, j)
    bump = (jnp.sum(nr) == m - 1) & (xi[last_ij] > 0.99)
    nr = jnp.where(bump, nr.at[last_ij].add(1), nr)
    cum = jnp.cumsum(nr)
    total = cum[-1]
    mm = jnp.arange(m, dtype=jnp.int32)
    pos = jnp.searchsorted(cum, mm, side='right')
    pad_val = jnp.where(
        total > 0,
        jnp.searchsorted(cum, jnp.maximum(total - 1, 0), side='right'),
        0,
    )
    return jnp.where(mm < total, pos, pad_val)


def _gather_rows_loop(xp, idx):
    def body(m, out):
        row = jax.lax.dynamic_slice(xp, (idx[m], 0), (1, xp.shape[1]))
        return jax.lax.dynamic_update_slice(out, row, (m, 0))

    return jax.lax.fori_loop(0, idx.shape[0], body, jnp.zeros_like(xp))


def kernel(meas, xp, u):
    n = xp.shape[0]
    mean, flag = _pf_mean_and_flag(meas, xp)

    def _keep(_):
        return mean[0, 0:3]

    def _resample(_):
        wp = jnp.full((n, 1), jnp.log(1.0 / n), dtype=jnp.float32)
        wp = wp + _poisson_logpmf(meas[0], _meas_lam(xp, meas))[:, None]
        wp = jnp.exp(wp - wp.max())
        wp = wp / wp.sum()
        idx = _ssp_resample_idx(
            wp[:, 0].astype(jnp.float64), n, u.astype(jnp.float64)
        )
        xp1 = _gather_rows_loop(xp, idx)
        wp1 = _poisson_logpmf(meas[0], _meas_lam(xp1, meas))[:, None]
        wp1 = jnp.exp(wp1 - wp1.max())
        wp1 = wp1 / wp1.sum()
        return jnp.sum(wp1 * xp1, axis=0)

    return jax.lax.cond(flag[0, 0] > 0.5, _resample, _keep, None)

# --- scband reference (transcript-rebuilt; emitter-appended) ---
"""Pipeline reference for scband-particle-filter-20418274525699 (READ-ONLY COPY).

The authoritative reference and input builder live on the scoring server;
editing this copy changes nothing except your own understanding.
"""

import jax, jax.numpy as jnp
import numpy as np
from jax.scipy.special import gammaln, xlogy

NPART = 1000000
SDIM = 3
BKG = 15.0
THRESH = 0.1
INT_LO, INT_HI = 100.0, 1000.0
COORD_LO, COORD_HI = 0.0, 2500.0


def ssp_np(W, M, u):
    # faithful numpy port of the numba ssp resampler (inherently sequential)
    N = W.shape[0]
    MW = M * W
    nr = np.floor(MW).astype(np.int64)
    xi = MW - nr
    i, j = 0, 1
    k = 0
    for k in range(N - 1):
        delta_i = min(xi[j], 1.0 - xi[i])
        delta_j = min(xi[i], 1.0 - xi[j])
        s = delta_i + delta_j
        pj = delta_i / s if s > 0.0 else 0.0
        if u[k] < pj:
            i, j = j, i
            delta_i = delta_j
        if xi[j] < 1.0 - xi[i]:
            xi[i] += delta_i
            j = k + 2
        else:
            xi[j] -= delta_i
            nr[i] += 1
            i = k + 2
    if nr.sum() == M - 1:
        last_ij = i if j == k + 2 else j
        if xi[last_ij] > 0.99:
            nr[last_ij] += 1
    idx = np.repeat(np.arange(N, dtype=np.int64), nr)
    if idx.shape[0] < M:
        pad_val = idx[-1] if idx.shape[0] > 0 else 0
        idx = np.concatenate([idx, np.full(M - idx.shape[0], pad_val, dtype=np.int64)])
    return idx[:M]


def _ssp_jax(W, M, u):
    # traced port of the sequential ssp resampler
    N = W.shape[0]
    MW = M * W
    nr = jnp.floor(MW).astype(jnp.int32)
    xi = MW - jnp.floor(MW)

    def body(k, state):
        xi, nr, i, j = state
        delta_i = jnp.minimum(xi[j], 1.0 - xi[i])
        delta_j = jnp.minimum(xi[i], 1.0 - xi[j])
        s = delta_i + delta_j
        pj = jnp.where(s > 0.0, delta_i / jnp.where(s > 0.0, s, 1.0), 0.0)
        swap = u[k] < pj
        i2 = jnp.where(swap, j, i)
        j2 = jnp.where(swap, i, j)
        delta = jnp.where(swap, delta_j, delta_i)
        grow = xi[j2] < 1.0 - xi[i2]
        xi = jnp.where(grow, xi.at[i2].add(delta), xi.at[j2].add(-delta))
        nr = jnp.where(grow, nr, nr.at[i2].add(1))
        i = jnp.where(grow, i2, (k + 2).astype(jnp.int32))
        j = jnp.where(grow, (k + 2).astype(jnp.int32), j2)
        return xi, nr, i, j

    xi, nr, i, j = jax.lax.fori_loop(
        0, N - 1, body, (xi, nr, jnp.int32(0), jnp.int32(1))
    )
    last_ij = jnp.where(j == N, i, j)
    bump = (jnp.sum(nr) == M - 1) & (xi[last_ij] > 0.99)
    nr = jnp.where(bump, nr.at[last_ij].add(1), nr)
    cum = jnp.cumsum(nr)
    total = cum[-1]
    m = jnp.arange(M, dtype=jnp.int32)
    pos = jnp.searchsorted(cum, m, side='right')
    pad_val = jnp.where(
        total > 0,
        jnp.searchsorted(cum, jnp.maximum(total - 1, 0), side='right'),
        0,
    )
    idx = jnp.where(m < total, pos, pad_val)
    return idx


def poisson_logpmf(k, lam):
    # scipy.stats.poisson._logpmf(k, lam)
    return xlogy(k, lam) - gammaln(k + 1.0) - lam


def meas_lam(xp, meas):
    # ParticleFilter.measModel
    R = jnp.sum(jnp.square(xp[:, 1:] - meas[1:]), axis=1)
    return jnp.round(xp[:, 0] * 10000.0 / R) + BKG


def setup_inputs(seed: int = 0):
    key = jax.random.key(seed)
    k1, k2, k3 = jax.random.split(key, 3)
    inten = jax.random.uniform(k1, (NPART, 1), minval=INT_LO, maxval=INT_HI, dtype=jnp.float32)
    pos = jax.random.uniform(k2, (NPART, SDIM - 1), minval=COORD_LO, maxval=COORD_HI, dtype=jnp.float32)
    xp = jnp.concatenate([inten, pos], axis=1)
    u = jax.random.uniform(k3, (NPART - 1,), dtype=jnp.float32)
    meas = jnp.array([20.0, 1200.0, 1300.0], dtype=jnp.float32)
    return {"meas": meas, "xp": xp, "u": u}


def reference(meas, xp, u):
    # faithful single step of ParticleFilter.track at n == 0
    N = xp.shape[0]
    wp = jnp.full((N, 1), jnp.log(1.0 / N), dtype=jnp.float32)
    wp = wp + poisson_logpmf(meas[0], meas_lam(xp, meas))[:, None]
    wp = jnp.exp(wp - wp.max())
    wp = wp / wp.sum()
    nEff = jnp.round(1.0 / jnp.sum(jnp.square(wp)))

    def _resample(ops):
        xp0, wp0 = ops
        idx = _ssp_jax(wp0[:, 0].astype(jnp.float64), N, u.astype(jnp.float64))
        xp1 = jnp.take(xp0, idx, axis=0)
        wp1 = poisson_logpmf(meas[0], meas_lam(xp1, meas))[:, None]
        wp1 = jnp.exp(wp1 - wp1.max())
        wp1 = wp1 / wp1.sum()
        return xp1, wp1

    def _keep(ops):
        return ops

    xp, wp = jax.lax.cond(nEff < THRESH * N, _resample, _keep, (xp, wp))
    xpHatMean = jnp.sum(wp * xp, axis=0)
    return xpHatMean

if __name__ == "__main__":
    import jax
    _d = setup_inputs()
    print(jax.jit(kernel)(*tuple(_d.values())))

</pallas_src>

<mosaic_0001>
module attributes {stable_mosaic.version = 14 : i64} {
  func.func @_pf_kernel(%arg0: i32, %arg1: memref<1x5xf32, #tpu.memory_space<smem>>, %arg2: memref<40x1000xf32, #tpu.memory_space<vmem>>, %arg3: memref<40x1000xf32, #tpu.memory_space<vmem>>, %arg4: memref<40x1000xf32, #tpu.memory_space<vmem>>, %arg5: memref<1x4xf32, #tpu.memory_space<smem>>, %arg6: memref<1x1xf32, #tpu.memory_space<smem>>, %arg7: memref<1x8xf32, #tpu.memory_space<smem>>) attributes {dimension_semantics = [#tpu.dimension_semantics<arbitrary>], iteration_bounds = array<i64: 25>, scalar_prefetch = 0 : i64, scratch_operands = 1 : i64, tpu.core_type = #tpu.core_type<tc>, window_params = [{transform_indices = @transform_0, window_bounds = array<i64: 1, 5>}, {transform_indices = @transform_1, window_bounds = array<i64: 40, 1000>}, {transform_indices = @transform_2, window_bounds = array<i64: 40, 1000>}, {transform_indices = @transform_3, window_bounds = array<i64: 40, 1000>}, {transform_indices = @transform_4, window_bounds = array<i64: 1, 4>}, {transform_indices = @transform_5, window_bounds = array<i64: 1, 1>}]} {
    %eq3A = arith.constant 0 : i32
    %eq3A_0 = arith.cmpi eq, %arg0, %eq3A : i32
    %convert_element_type3A = arith.extui %eq3A_0 : i1 to i32
    %cond3A = arith.constant 0 : i32
    %cond3A_1 = arith.cmpi ne, %convert_element_type3A, %cond3A : i32
    scf.if %cond3A_1 {
      %swap3A_104 = arith.constant 0.000000e+00 : f32
      %swap3A_105 = arith.constant 0 : index
      %swap3A_106 = arith.constant 0 : index
      %swap3A_107 = memref.load %arg7[%swap3A_105, %swap3A_106] : memref<1x8xf32, #tpu.memory_space<smem>>
      memref.store %swap3A_104, %arg7[%swap3A_105, %swap3A_106] : memref<1x8xf32, #tpu.memory_space<smem>>
      %swap3A_108 = arith.constant 0.000000e+00 : f32
      %swap3A_109 = arith.constant 0 : index
      %swap3A_110 = arith.constant 1 : index
      %swap3A_111 = memref.load %arg7[%swap3A_109, %swap3A_110] : memref<1x8xf32, #tpu.memory_space<smem>>
      memref.store %swap3A_108, %arg7[%swap3A_109, %swap3A_110] : memref<1x8xf32, #tpu.memory_space<smem>>
      %swap3A_112 = arith.constant 0.000000e+00 : f32
      %swap3A_113 = arith.constant 0 : index
      %swap3A_114 = arith.constant 2 : index
      %swap3A_115 = memref.load %arg7[%swap3A_113, %swap3A_114] : memref<1x8xf32, #tpu.memory_space<smem>>
      memref.store %swap3A_112, %arg7[%swap3A_113, %swap3A_114] : memref<1x8xf32, #tpu.memory_space<smem>>
      %swap3A_116 = arith.constant 0.000000e+00 : f32
      %swap3A_117 = arith.constant 0 : index
      %swap3A_118 = arith.constant 3 : index
      %swap3A_119 = memref.load %arg7[%swap3A_117, %swap3A_118] : memref<1x8xf32, #tpu.memory_space<smem>>
      memref.store %swap3A_116, %arg7[%swap3A_117, %swap3A_118] : memref<1x8xf32, #tpu.memory_space<smem>>
      %swap3A_120 = arith.constant 0.000000e+00 : f32
      %swap3A_121 = arith.constant 0 : index
      %swap3A_122 = arith.constant 4 : index
      %swap3A_123 = memref.load %arg7[%swap3A_121, %swap3A_122] : memref<1x8xf32, #tpu.memory_space<smem>>
      memref.store %swap3A_120, %arg7[%swap3A_121, %swap3A_122] : memref<1x8xf32, #tpu.memory_space<smem>>
      %swap3A_124 = arith.constant 0.000000e+00 : f32
      %swap3A_125 = arith.constant 0 : index
      %swap3A_126 = arith.constant 5 : index
      %swap3A_127 = memref.load %arg7[%swap3A_125, %swap3A_126] : memref<1x8xf32, #tpu.memory_space<smem>>
      memref.store %swap3A_124, %arg7[%swap3A_125, %swap3A_126] : memref<1x8xf32, #tpu.memory_space<smem>>
      %swap3A_128 = arith.constant 0.000000e+00 : f32
      %swap3A_129 = arith.constant 0 : index
      %swap3A_130 = arith.constant 6 : index
      %swap3A_131 = memref.load %arg7[%swap3A_129, %swap3A_130] : memref<1x8xf32, #tpu.memory_space<smem>>
      memref.store %swap3A_128, %arg7[%swap3A_129, %swap3A_130] : memref<1x8xf32, #tpu.memory_space<smem>>
      %swap3A_132 = arith.constant 0.000000e+00 : f32
      %swap3A_133 = arith.constant 0 : index
      %swap3A_134 = arith.constant 7 : index
      %swap3A_135 = memref.load %arg7[%swap3A_133, %swap3A_134] : memref<1x8xf32, #tpu.memory_space<smem>>
      memref.store %swap3A_132, %arg7[%swap3A_133, %swap3A_134] : memref<1x8xf32, #tpu.memory_space<smem>>
    } else {
    }
    %get3A = arith.constant 0 : index
    %get3A_2 = arith.constant 0 : index
    %get3A_3 = memref.load %arg1[%get3A, %get3A_2] : memref<1x5xf32, #tpu.memory_space<smem>>
    %get3A_4 = arith.constant 0 : index
    %get3A_5 = arith.constant 1 : index
    %get3A_6 = memref.load %arg1[%get3A_4, %get3A_5] : memref<1x5xf32, #tpu.memory_space<smem>>
    %get3A_7 = arith.constant 0 : index
    %get3A_8 = arith.constant 2 : index
    %get3A_9 = memref.load %arg1[%get3A_7, %get3A_8] : memref<1x5xf32, #tpu.memory_space<smem>>
    %get3A_10 = arith.constant 0 : index
    %get3A_11 = arith.constant 3 : index
    %get3A_12 = memref.load %arg1[%get3A_10, %get3A_11] : memref<1x5xf32, #tpu.memory_space<smem>>
    %get3A_13 = arith.constant 0 : index
    %get3A_14 = arith.constant 0 : index
    %get3A_15 = vector.load %arg2[%get3A_13, %get3A_14] : memref<40x1000xf32, #tpu.memory_space<vmem>>, vector<40x1000xf32>
    %get3A_16 = arith.constant 0 : index
    %get3A_17 = arith.constant 0 : index
    %get3A_18 = vector.load %arg3[%get3A_16, %get3A_17] : memref<40x1000xf32, #tpu.memory_space<vmem>>, vector<40x1000xf32>
    %get3A_19 = arith.constant 0 : index
    %get3A_20 = arith.constant 0 : index
    %get3A_21 = vector.load %arg4[%get3A_19, %get3A_20] : memref<40x1000xf32, #tpu.memory_space<vmem>>, vector<40x1000xf32>
    %sub3A = vector.broadcast %get3A_6 : f32 to vector<40x1000xf32>
    %sub3A_22 = arith.subf %get3A_18, %sub3A : vector<40x1000xf32>
    %sub3A_23 = vector.broadcast %get3A_9 : f32 to vector<40x1000xf32>
    %sub3A_24 = arith.subf %get3A_21, %sub3A_23 : vector<40x1000xf32>
    %mul3A = arith.mulf %sub3A_22, %sub3A_22 : vector<40x1000xf32>
    %mul3A_25 = arith.mulf %sub3A_24, %sub3A_24 : vector<40x1000xf32>
    %add3A = arith.addf %mul3A, %mul3A_25 : vector<40x1000xf32>
    %mul3A_26 = arith.constant 1.000000e+04 : f32
    %mul3A_27 = vector.broadcast %mul3A_26 : f32 to vector<40x1000xf32>
    %mul3A_28 = arith.mulf %get3A_15, %mul3A_27 : vector<40x1000xf32>
    %div3A = arith.divf %mul3A_28, %add3A : vector<40x1000xf32>
    %round3A = math.roundeven %div3A : vector<40x1000xf32>
    %add3A_29 = arith.constant 1.500000e+01 : f32
    %add3A_30 = vector.broadcast %add3A_29 : f32 to vector<40x1000xf32>
    %add3A_31 = arith.addf %round3A, %add3A_30 : vector<40x1000xf32>
    %log3A = math.log %add3A_31 : vector<40x1000xf32>
    %mul3A_32 = vector.broadcast %get3A_3 : f32 to vector<40x1000xf32>
    %mul3A_33 = arith.mulf %mul3A_32, %log3A : vector<40x1000xf32>
    %sub3A_34 = arith.subf %mul3A_33, %add3A_31 : vector<40x1000xf32>
    %sub3A_35 = vector.broadcast %get3A_12 : f32 to vector<40x1000xf32>
    %sub3A_36 = arith.subf %sub3A_34, %sub3A_35 : vector<40x1000xf32>
    %exp3A = math.exp %sub3A_36 : vector<40x1000xf32>
    %get3A_37 = arith.constant 0 : index
    %get3A_38 = arith.constant 0 : index
    %get3A_39 = memref.load %arg7[%get3A_37, %get3A_38] : memref<1x8xf32, #tpu.memory_space<smem>>
    %reduce_sum3A = vector.shape_cast %exp3A : vector<40x1000xf32> to vector<1x40x1000xf32>
    %reduce_sum3A_40 = arith.constant dense<0.000000e+00> : vector<1xf32>
    %reduce_sum3A_41 = vector.multi_reduction <add>, %reduce_sum3A, %reduce_sum3A_40 [1, 2] : vector<1x40x1000xf32> to vector<1xf32>
    %reduce_sum3A_42 = vector.shape_cast %reduce_sum3A_41 : vector<1xf32> to vector<1x1x1xf32>
    %reduce_sum3A_43 = vector.extract %reduce_sum3A_42[0, 0, 0] : f32 from vector<1x1x1xf32>
    %add3A_44 = arith.addf %get3A_39, %reduce_sum3A_43 : f32
    %swap3A = arith.constant 0 : index
    %swap3A_45 = arith.constant 0 : index
    %swap3A_46 = memref.load %arg7[%swap3A, %swap3A_45] : memref<1x8xf32, #tpu.memory_space<smem>>
    memref.store %add3A_44, %arg7[%swap3A, %swap3A_45] : memref<1x8xf32, #tpu.memory_space<smem>>
    %get3A_47 = arith.constant 0 : index
    %get3A_48 = arith.constant 1 : index
    %get3A_49 = memref.load %arg7[%get3A_47, %get3A_48] : memref<1x8xf32, #tpu.memory_space<smem>>
    %mul3A_50 = arith.mulf %exp3A, %exp3A : vector<40x1000xf32>
    %reduce_sum3A_51 = vector.shape_cast %mul3A_50 : vector<40x1000xf32> to vector<1x40x1000xf32>
    %reduce_sum3A_52 = arith.constant dense<0.000000e+00> : vector<1xf32>
    %reduce_sum3A_53 = vector.multi_reduction <add>, %reduce_sum3A_51, %reduce_sum3A_52 [1, 2] : vector<1x40x1000xf32> to vector<1xf32>
    %reduce_sum3A_54 = vector.shape_cast %reduce_sum3A_53 : vector<1xf32> to vector<1x1x1xf32>
    %reduce_sum3A_55 = vector.extract %reduce_sum3A_54[0, 0, 0] : f32 from vector<1x1x1xf32>
    %add3A_56 = arith.addf %get3A_49, %reduce_sum3A_55 : f32
    %swap3A_57 = arith.constant 0 : index
    %swap3A_58 = arith.constant 1 : index
    %swap3A_59 = memref.load %arg7[%swap3A_57, %swap3A_58] : memref<1x8xf32, #tpu.memory_space<smem>>
    memref.store %add3A_56, %arg7[%swap3A_57, %swap3A_58] : memref<1x8xf32, #tpu.memory_space<smem>>
    %get3A_60 = arith.constant 0 : index
    %get3A_61 = arith.constant 2 : index
    %get3A_62 = memref.load %arg7[%get3A_60, %get3A_61] : memref<1x8xf32, #tpu.memory_space<smem>>
    %mul3A_63 = arith.mulf %exp3A, %get3A_15 : vector<40x1000xf32>
    %reduce_sum3A_64 = vector.shape_cast %mul3A_63 : vector<40x1000xf32> to vector<1x40x1000xf32>
    %reduce_sum3A_65 = arith.constant dense<0.000000e+00> : vector<1xf32>
    %reduce_sum3A_66 = vector.multi_reduction <add>, %reduce_sum3A_64, %reduce_sum3A_65 [1, 2] : vector<1x40x1000xf32> to vector<1xf32>
    %reduce_sum3A_67 = vector.shape_cast %reduce_sum3A_66 : vector<1xf32> to vector<1x1x1xf32>
    %reduce_sum3A_68 = vector.extract %reduce_sum3A_67[0, 0, 0] : f32 from vector<1x1x1xf32>
    %add3A_69 = arith.addf %get3A_62, %reduce_sum3A_68 : f32
    %swap3A_70 = arith.constant 0 : index
    %swap3A_71 = arith.constant 2 : index
    %swap3A_72 = memref.load %arg7[%swap3A_70, %swap3A_71] : memref<1x8xf32, #tpu.memory_space<smem>>
    memref.store %add3A_69, %arg7[%swap3A_70, %swap3A_71] : memref<1x8xf32, #tpu.memory_space<smem>>
    %get3A_73 = arith.constant 0 : index
    %get3A_74 = arith.constant 3 : index
    %get3A_75 = memref.load %arg7[%get3A_73, %get3A_74] : memref<1x8xf32, #tpu.memory_space<smem>>
    %mul3A_76 = arith.mulf %exp3A, %get3A_18 : vector<40x1000xf32>
    %reduce_sum3A_77 = vector.shape_cast %mul3A_76 : vector<40x1000xf32> to vector<1x40x1000xf32>
    %reduce_sum3A_78 = arith.constant dense<0.000000e+00> : vector<1xf32>
    %reduce_sum3A_79 = vector.multi_reduction <add>, %reduce_sum3A_77, %reduce_sum3A_78 [1, 2] : vector<1x40x1000xf32> to vector<1xf32>
    %reduce_sum3A_80 = vector.shape_cast %reduce_sum3A_79 : vector<1xf32> to vector<1x1x1xf32>
    %reduce_sum3A_81 = vector.extract %reduce_sum3A_80[0, 0, 0] : f32 from vector<1x1x1xf32>
    %add3A_82 = arith.addf %get3A_75, %reduce_sum3A_81 : f32
    %swap3A_83 = arith.constant 0 : index
    %swap3A_84 = arith.constant 3 : index
    %swap3A_85 = memref.load %arg7[%swap3A_83, %swap3A_84] : memref<1x8xf32, #tpu.memory_space<smem>>
    memref.store %add3A_82, %arg7[%swap3A_83, %swap3A_84] : memref<1x8xf32, #tpu.memory_space<smem>>
    %get3A_86 = arith.constant 0 : index
    %get3A_87 = arith.constant 4 : index
    %get3A_88 = memref.load %arg7[%get3A_86, %get3A_87] : memref<1x8xf32, #tpu.memory_space<smem>>
    %mul3A_89 = arith.mulf %exp3A, %get3A_21 : vector<40x1000xf32>
    %reduce_sum3A_90 = vector.shape_cast %mul3A_89 : vector<40x1000xf32> to vector<1x40x1000xf32>
    %reduce_sum3A_91 = arith.constant dense<0.000000e+00> : vector<1xf32>
    %reduce_sum3A_92 = vector.multi_reduction <add>, %reduce_sum3A_90, %reduce_sum3A_91 [1, 2] : vector<1x40x1000xf32> to vector<1xf32>
    %reduce_sum3A_93 = vector.shape_cast %reduce_sum3A_92 : vector<1xf32> to vector<1x1x1xf32>
    %reduce_sum3A_94 = vector.extract %reduce_sum3A_93[0, 0, 0] : f32 from vector<1x1x1xf32>
    %add3A_95 = arith.addf %get3A_88, %reduce_sum3A_94 : f32
    %swap3A_96 = arith.constant 0 : index
    %swap3A_97 = arith.constant 4 : index
    %swap3A_98 = memref.load %arg7[%swap3A_96, %swap3A_97] : memref<1x8xf32, #tpu.memory_space<smem>>
    memref.store %add3A_95, %arg7[%swap3A_96, %swap3A_97] : memref<1x8xf32, #tpu.memory_space<smem>>
    %eq3A_99 = arith.constant 24 : i32
    %eq3A_100 = arith.cmpi eq, %arg0, %eq3A_99 : i32
    %convert_element_type3A_101 = arith.extui %eq3A_100 : i1 to i32
    %cond3A_102 = arith.constant 0 : i32
    %cond3A_103 = arith.cmpi ne, %convert_element_type3A_101, %cond3A_102 : i32
    scf.if %cond3A_103 {
      %get3A_104 = arith.constant 0 : index
      %get3A_105 = arith.constant 0 : index
      %get3A_106 = memref.load %arg7[%get3A_104, %get3A_105] : memref<1x8xf32, #tpu.memory_space<smem>>
      %get3A_107 = arith.constant 0 : index
      %get3A_108 = arith.constant 1 : index
      %get3A_109 = memref.load %arg7[%get3A_107, %get3A_108] : memref<1x8xf32, #tpu.memory_space<smem>>
      %mul3A_110 = arith.mulf %get3A_106, %get3A_106 : f32
      %div3A_111 = arith.divf %mul3A_110, %get3A_109 : f32
      %round3A_112 = math.roundeven %div3A_111 : f32
      %get3A_113 = arith.constant 0 : index
      %get3A_114 = arith.constant 4 : index
      %get3A_115 = memref.load %arg1[%get3A_113, %get3A_114] : memref<1x5xf32, #tpu.memory_space<smem>>
      %get3A_116 = arith.constant 0 : index
      %get3A_117 = arith.constant 2 : index
      %get3A_118 = memref.load %arg7[%get3A_116, %get3A_117] : memref<1x8xf32, #tpu.memory_space<smem>>
      %div3A_119 = arith.divf %get3A_118, %get3A_106 : f32
      %swap3A_120 = arith.constant 0 : index
      %swap3A_121 = arith.constant 0 : index
      %swap3A_122 = memref.load %arg5[%swap3A_120, %swap3A_121] : memref<1x4xf32, #tpu.memory_space<smem>>
      memref.store %div3A_119, %arg5[%swap3A_120, %swap3A_121] : memref<1x4xf32, #tpu.memory_space<smem>>
      %get3A_123 = arith.constant 0 : index
      %get3A_124 = arith.constant 3 : index
      %get3A_125 = memref.load %arg7[%get3A_123, %get3A_124] : memref<1x8xf32, #tpu.memory_space<smem>>
      %div3A_126 = arith.divf %get3A_125, %get3A_106 : f32
      %swap3A_127 = arith.constant 0 : index
      %swap3A_128 = arith.constant 1 : index
      %swap3A_129 = memref.load %arg5[%swap3A_127, %swap3A_128] : memref<1x4xf32, #tpu.memory_space<smem>>
      memref.store %div3A_126, %arg5[%swap3A_127, %swap3A_128] : memref<1x4xf32, #tpu.memory_space<smem>>
      %get3A_130 = arith.constant 0 : index
      %get3A_131 = arith.constant 4 : index
      %get3A_132 = memref.load %arg7[%get3A_130, %get3A_131] : memref<1x8xf32, #tpu.memory_space<smem>>
      %div3A_133 = arith.divf %get3A_132, %get3A_106 : f32
      %swap3A_134 = arith.constant 0 : index
      %swap3A_135 = arith.constant 2 : index
      %swap3A_136 = memref.load %arg5[%swap3A_134, %swap3A_135] : memref<1x4xf32, #tpu.memory_space<smem>>
      memref.store %div3A_133, %arg5[%swap3A_134, %swap3A_135] : memref<1x4xf32, #tpu.memory_space<smem>>
      %mul3A_137 = arith.constant 1.000000e-01 : f32
      %mul3A_138 = arith.mulf %mul3A_137, %get3A_115 : f32
      %lt3A = arith.cmpf olt, %round3A_112, %mul3A_138 : f32
      %jit3A = arith.constant 1.000000e+00 : f32
      %jit3A_139 = arith.constant 0.000000e+00 : f32
      %select_n3A = arith.select %lt3A, %jit3A, %jit3A_139 : f32
      %swap3A_140 = arith.constant 0 : index
      %swap3A_141 = arith.constant 0 : index
      %swap3A_142 = memref.load %arg6[%swap3A_140, %swap3A_141] : memref<1x1xf32, #tpu.memory_space<smem>>
      memref.store %select_n3A, %arg6[%swap3A_140, %swap3A_141] : memref<1x1xf32, #tpu.memory_space<smem>>
    } else {
    }
    return
  }
  func.func @transform_0(%arg0: i32) -> (i32, i32) {
    %c0_i32 = arith.constant 0 : i32
    %c0_i32_0 = arith.constant 0 : i32
    %c0_i32_1 = arith.constant 0 : i32
    return %c0_i32, %c0_i32_0 : i32, i32
  }
  func.func @transform_1(%arg0: i32) -> (i32, i32) {
    %c0_i32 = arith.constant 0 : i32
    %c0_i32_0 = arith.constant 0 : i32
    return %arg0, %c0_i32 : i32, i32
  }
  func.func @transform_2(%arg0: i32) -> (i32, i32) {
    %c0_i32 = arith.constant 0 : i32
    %c0_i32_0 = arith.constant 0 : i32
    return %arg0, %c0_i32 : i32, i32
  }
  func.func @transform_3(%arg0: i32) -> (i32, i32) {
    %c0_i32 = arith.constant 0 : i32
    %c0_i32_0 = arith.constant 0 : i32
    return %arg0, %c0_i32 : i32, i32
  }
  func.func @transform_4(%arg0: i32) -> (i32, i32) {
    %c0_i32 = arith.constant 0 : i32
    %c0_i32_0 = arith.constant 0 : i32
    %c0_i32_1 = arith.constant 0 : i32
    return %c0_i32, %c0_i32_0 : i32, i32
  }
  func.func @transform_5(%arg0: i32) -> (i32, i32) {
    %c0_i32 = arith.constant 0 : i32
    %c0_i32_0 = arith.constant 0 : i32
    %c0_i32_1 = arith.constant 0 : i32
    return %c0_i32, %c0_i32_0 : i32, i32
  }
}

</mosaic_0001>

<sc_bundles>
// kernel: gather_offload_async_start
scs
__scs_entry_jumppad:
0x0: {  	(pc) =	sbr.rel $0x88, $3  }
0x1: {  	(tag) =	ssettag $0x0;
	lr =	simm.s32 $0x1  }
0x2: {  	[smem:$0x3F9E] =	sst lr;
	_ =	strace $0xD0000000  }
0x3: {  	_ = 	snop  }
0x4: {  	_ = 	snop  }
0x5: {  	_ = 	snop  }
0x6: {  	_ = 	snop  }
0x7: {  	_ = 	snop  }
__scs_overlays_trampoline_lowered:
0x8: {  	[smem:$0x3FAD] =	sst s0  }
0x9: {  	[smem:$0x3FAE] =	sst s1  }
0xa: {  	[smem:$0x3FAF] =	sst s2  }
0xb: {  	[smem:$0x3FB0] =	sst s3  }
0xc: {  	[smem:$0x3FB1] =	sst s4  }
0xd: {  	[smem:$0x3FB2] =	sst s5  }
0xe: {  	[smem:$0x3FB3] =	sst s6  }
0xf: {  	[smem:$0x3FB4] =	sst s7  }
0x10: {  	[smem:$0x3FB5] =	sst s8  }
0x11: {  	[smem:$0x3FB6] =	sst s9;
	s0 =	simm.s32 @!p0 $0x0  }
0x12: {  	s1 =	sld [smem:$0x3F9C];
	s0 =	simm.s32 @p0 $0x1  }
0x13: {  	[smem:$0x3FB7] =	sst s0;
	s0 =	simm.s32 @!p1 $0x0  }
0x14: {  	s2 =	sld [smem:$0x3F9B];
	s0 =	simm.s32 @p1 $0x1  }
0x15: {  	[smem:$0x3FB8] =	sst s0;
	s0 =	simm.s32 @!p2 $0x0  }
0x16: {  	s3 =	sld [smem:$0x3FDB];
	s0 =	simm.s32 @p2 $0x1  }
0x17: {  	s4 =	simm.s32 $0x1BF5;
	[smem:$0x3FBA] =	sst s0  }
0x18: {  	s0 =	sld [smem:$0x3F9D];
	_ =	swait.ge [sflag:s4], $0x0  }
0x19: {  	s7 =	sld [smem:$0x3F9E]  }
0x1a: {  	s8 =	sadd.s32 $0xFFFFE003, lr  }
0x1b: {  	s9 =	sadd.s32 $0xFFFFFEF7, lr;
	s5 =	simm.s32 $0xFFFFFFFF;
	p2 =	slt.u32 s8, $0xFFFFF086  }
0x1c: {  	p1 =	slt.u32 s9, $0xF7A;
	s5 =	simm.s32 @!p2 $0x0  }
0x1d: {  	s5 =	simm.s32 @p1 $0x1;
	p0 =	seq.s32 s7, s2  }
0x1e: {  	s7 =	smul.u32 @!p0 $0xF7A, s2;
	p2 =	seq.s32 @!p0 s5, $0x0  }
0x1f: {  	s9 =	smul.u32 $0xF7A, s1;
	s8 =	simm.s32 @!p0 $0x1BF5;
	p2 =	por !p2, p0  }
0x20: {  	[sflag:s8] =	ssyncset.s32 @!p0 $0xFFFFF086;
	s6 =	sadd.s32 @!p0 s3, s7;
	s7 =	simm.s32 @!p0 $0x108  }
0x21: {  	s3 =	sadd.s32 s3, s9;
	s6 =	sadd.s32 @!p0 $0x88, s6;
	s7 =	simm.s32 @p2 $0x1082  }
0x22: {  	[simem:s7], [sflag:s8] =	dma.local @!p0 [hbm:s6], $0xF7A  }
0x23: {  	s9 =	sor.u32 $0xD0000000, s2;
	s6 =	simm.s32 $0x108;
	_ =	swait.ge @!p0 [sflag:s8], $0x0  }
0x24: {  	s3 =	sadd.s32 $0x88, s3;
	s6 =	simm.s32 @!p1 $0x1082;
	[sflag:s4] =	ssyncset.s32 $0xFFFFF086  }
0x25: {  	[simem:s6], [sflag:s4] =	dma.local [hbm:s3], $0xF7A  }
0x26: {  	[smem:$0x3F9E] =	sst s1;
	(tag) =	ssettag s2;
	_ =	strace s9  }
0x27: {  	s1 =	sld [smem:$0x3FAE]  }
0x28: {  	s2 =	sld [smem:$0x3FAF]  }
0x29: {  	s4 =	sld [smem:$0x3FB1]  }
0x2a: {  	p0 =	seq.s32 s5, $0x0;
	s5 =	sld [smem:$0x3FB2]  }
0x2b: {  	s6 =	sld [smem:$0x3FB3]  }
0x2c: {  	s7 =	sld [smem:$0x3FB4]  }
0x2d: {  	s3 =	simm.s32 $0x108;
	s8 =	sld [smem:$0x3FB5]  }
0x2e: {  	s3 =	simm.s32 @!p0 $0x1082;
	s9 =	sld [smem:$0x3FB6]  }
0x2f: {  	lr =	sadd.s32 s0, s3;
	s0 =	sld [smem:$0x3FAD]  }
0x30: {  	s3 =	sld [smem:$0x3FB0]  }
0x31: {  	[smem:$0x3FB9] =	sst s10  }
0x32: {  	s10 =	sld [smem:$0x3FB7];
	_ =	sdelay $0x3  }
0x33: {  	p0 =	seq.s32 s10, $0x1;
	s10 =	sld [smem:$0x3FB9];
	_ =	sdelay $0x3  }
0x34: {  	[smem:$0x3FB9] =	sst s10  }
0x35: {  	s10 =	sld [smem:$0x3FB8];
	_ =	sdelay $0x3  }
0x36: {  	p1 =	seq.s32 s10, $0x1;
	s10 =	sld [smem:$0x3FB9];
	_ =	sdelay $0x3  }
0x37: {  	[smem:$0x3FB9] =	sst s10  }
0x38: {  	s10 =	sld [smem:$0x3FBA]  }
0x39: {  	_ = 	snop;
	(pc) =	sbr.ind lr, $3  }
0x3a: {  	_ = 	snop  }
0x3b: {  	_ = 	snop  }
0x3c: {  	p2 =	seq.s32 s10, $0x1;
	s10 =	sld [smem:$0x3FB9]  }
0x3d: {  	_ =	shalt  }
0x3e: {  	_ =	shalt  }
0x3f: {  	_ =	shalt  }
0x40: {  	_ =	shalt  }
0x41: {  	_ =	shalt  }
0x42: {  	_ =	shalt  }
0x43: {  	_ =	shalt  }
0x44: {  	_ =	shalt  }
0x45: {  	_ =	shalt  }
0x46: {  	_ =	shalt  }
0x47: {  	_ =	shalt  }
0x48: {  	_ =	shalt  }
0x49: {  	_ =	shalt  }
0x4a: {  	_ =	shalt  }
0x4b: {  	_ =	shalt  }
0x4c: {  	_ =	shalt  }
0x4d: {  	_ =	shalt  }
0x4e: {  	_ =	shalt  }
0x4f: {  	_ =	shalt  }
0x50: {  	_ =	shalt  }
0x51: {  	_ =	shalt  }
0x52: {  	_ =	shalt  }
0x53: {  	_ =	shalt  }
0x54: {  	_ =	shalt  }
0x55: {  	_ =	shalt  }
0x56: {  	_ =	shalt  }
0x57: {  	_ =	shalt  }
0x58: {  	_ =	shalt  }
0x59: {  	_ =	shalt  }
0x5a: {  	_ =	shalt  }
0x5b: {  	_ =	shalt  }
0x5c: {  	_ =	shalt  }
0x5d: {  	_ =	shalt  }
0x5e: {  	_ =	shalt  }
0x5f: {  	_ =	shalt  }
0x60: {  	_ =	shalt  }
0x61: {  	_ =	shalt  }
0x62: {  	_ =	shalt  }
0x63: {  	_ =	shalt  }
0x64: {  	_ =	shalt  }
0x65: {  	_ =	shalt  }
0x66: {  	_ =	shalt  }
0x67: {  	_ =	shalt  }
0x68: {  	_ =	shalt  }
0x69: {  	_ =	shalt  }
0x6a: {  	_ =	shalt  }
0x6b: {  	_ =	shalt  }
0x6c: {  	_ =	shalt  }
0x6d: {  	_ =	shalt  }
0x6e: {  	_ =	shalt  }
0x6f: {  	_ =	shalt  }
0x70: {  	_ =	shalt  }
0x71: {  	_ =	shalt  }
0x72: {  	_ =	shalt  }
0x73: {  	_ =	shalt  }
0x74: {  	_ =	shalt  }
0x75: {  	_ =	shalt  }
0x76: {  	_ =	shalt  }
0x77: {  	_ =	shalt  }
0x78: {  	_ =	shalt  }
0x79: {  	_ =	shalt  }
0x7a: {  	_ =	shalt  }
0x7b: {  	_ =	shalt  }
0x7c: {  	_ =	shalt  }
0x7d: {  	_ =	shalt  }
0x7e: {  	_ =	shalt  }
0x7f: {  	_ =	shalt  }
0x80: {  	_ =	shalt  }
0x81: {  	_ =	shalt  }
0x82: {  	_ =	shalt  }
0x83: {  	_ =	shalt  }
0x84: {  	_ =	shalt  }
0x85: {  	_ =	shalt  }
0x86: {  	_ =	shalt  }
0x87: {  	_ =	shalt  }
.Lfunc_end0:
.L_simem_size_0:
called_computation_lowered:
.L_overlay_start_0:
0x88: {  	s2 =	sld [smem:$0x3FD9]  }
0x89: {  	s3 =	sld [smem:$0x3FFE];
	_ =	sdelay $0x1  }
0x8a: {  	s1 =	srdreg.scid  }
0x8b: {  	s0 =	sand.u32 $0x1, s1  }
0x8c: {  	s16 =	sshll.u32 s0, $0xA;
	s2 =	sadd.s32 s3, s2  }
0x8d: {  	s2 =	sadd.s32 s2, s16  }
0x8e: {  	[smem:$0x3FC5] =	sst s2  }
0x8f: {  	_ = 	snop  }
0x90: {  	(tm) =	ssettm $0x1  }
0x91: {  	s17 =	sld [smem:$0x3FFB];
	_ =	sdelay $0x3  }
0x92: {  	_ =	strace s17  }
0x93: {  	s2 =	sld [smem:$0x3FFC];
	_ =	sdelay $0x3  }
0x94: {  	_ =	strace s2  }
0x95: {  	s2 =	sld [smem:$0x3FFD];
	_ =	sdelay $0x3  }
0x96: {  	_ =	strace s2  }
0x97: {  	_ =	strace $0x8FFFFFFF  }
0x98: {  	s18 =	sld [smem:$0x3FDB];
	_ =	sdelay $0x1  }
0x99: {  	s19 =	simm.s32 $_scs_section_size  }
0x9a: {  	s4 =	simm.s32 $_size__tile_overlayer_lowered;
	s5 =	simm.s32 $_tile_overlayer_lowered  }
0x9b: {  	s22 =	simm.s32 $0x1BFF;
	s21 =	sshll.u32 s5, $0x1;
	s2 =	sadd.s32 s19, s18  }
0x9c: {  	s6 =	simm.s32 $0x0;
	s20 =	sshll.u32 s4, $0x1;
	s4 =	sadd.s32 s21, s2  }
0x9d: {  	[timem:s6], [sflag:s22] =	dma.local [hbm:s4], s20  }
0x9e: {  	_ =	swait.ge [sflag:s22], s20  }
0x9f: {  	s3 =	ssub.s32 $0x0, s20;
	[sflag:s22] =	ssyncset.done $0x0  }
0xa0: {  	[sflag:s22] =	ssyncadd.s32 s3;
	_ =	sdelay $0x1  }
0xa1: {  	s23 =	simm.s32 $0x1B8B  }
0xa2: {  	_ =	swait.ge [sflag:s23], $0x1  }
0xa3: {  	[sflag:s23] =	ssyncset.done $0x0  }
0xa4: {  	s25 =	simm.s32 $0x1B8E;
	s24 =	sld [smem:$0x3FFE];
	[sflag:s23] =	ssyncadd.s32 $0xFFFFFFFF  }
0xa5: {  	s26 =	simm.s32 $execute0_lowered;
	[smem:$0x3FD2] =	sst s25  }
0xa6: {  	s4 =	sshll.u32 s26, $0x1;
	_ =	strace $0x80000046;
	[dreg:$0x1] =	wrdreg $0xFFFFFFFF  }
0xa7: {  	s28 =	simm.s32 $_size_execute0_lowered;
	s2 =	sadd.s32 s2, s4;
	[dreg:$0x0] =	wrdreg $0x0  }
0xa8: {  	s4 =	sshll.u32 s28, $0x1;
	[dreg:$0x2] =	wrdreg s2  }
0xa9: {  	[dreg:$0x3] =	wrdreg s4  }
0xaa: {  	[dreg:$0x4] =	wrdreg $0xC0  }
0xab: {  	_ =	task [dreg:s6], $0x5FFFF  }
0xac: {  	[dreg:$0x1] =	wrdreg $0xFFFFFFFF  }
0xad: {  	[dreg:$0x0] =	wrdreg $0x60  }
0xae: {  	[dreg:$0x2] =	wrdreg s24  }
0xaf: {  	[dreg:$0x3] =	wrdreg $0x9  }
0xb0: {  	_ =	task.clear_ibuf [dreg:s6], $0x4FFFF;
	_ =	strace $0x90000046  }
0xb1: {  	s29 =	simm.s32 $0x9;
	_ =	strace $0x80000048  }
0xb2: {  	_ =	swait.ge [sflag:s29], $0x1  }
0xb3: {  	[sflag:s29] =	ssyncadd.s32 $0xFFFFFFFF  }
0xb4: {  	_ =	strace $0x90000048  }
0xb5: {  	_ =	sfence  }
0xb6: {  	s30 =	sld [smem:$0x0];
	_ =	sdelay $0x2  }
0xb7: {  	s31 =	sshll.u32 s1, $0xD;
	s1 =	sshrl.u32 s1, $0x2  }
0xb8: {  	s3 =	sand.u32 $0x4000, s31;
	s1 =	sadd.s32 s1, s30  }
0xb9: {  	s0 =	sor.u32 s3, s0;
	s1 =	sshll.u32 s1, $0x11  }
0xba: {  	s0 =	sor.u32 s1, s0  }
0xbb: {  	s0 =	sadd.s32 $0x8F2B, s0  }
0xbc: {  	[sflag:s0] =	ssyncadd.remote.s32 $0x1  }
0xbd: {  	_ =	sfence.sel $0xFFFF  }
0xbe: {  	[dreg:$0x0] =	wrdreg $0xFFFFFFFF;
	(pc) =	sbr.abs _section_cstart, $3  }
0xbf: {  	[dreg:$0x1] =	wrdreg $0xFFFFFFFF  }
0xc0: {  	_ =	task.clear_ibuf [dreg:s6], $0x2FFFF;
	_ =	strace $0x9FFFFFFF  }
0xc1: {  	(tm) =	ssettm $0x7FFFFFFF  }
tec
execute0_lowered:
.L_overlay_start_1:
0x0: {  	(tag) =	ssettag $0x1  }
0x1: {  	s8 =	rddreg [dreg:$0x0];
	s1 =	stileid.u32  }
0x2: {  	s2 =	srdreg.scid;
	s0 =	rddreg [dreg:$0x1]  }
0x3: {  	_ =	strace $0x80000047;
	s5 =	simm.s32 $0x1;
	s9 =	simm.s32 $0x1  }
0x4: {  	s10 =	simm.s32 $0x3;
	s2 =	sand.u32 $0x1, s2;
	s3 =	sshll.u32 s1, $0x1  }
0x5: {  	s13 =	simm.s32 $0x0;
	s12 =	simm.s32 $0x0;
	s6 =	sor.u32 s3, s2  }
0x6: {  	[sflag:s5] =	ssyncpa.u1 $0x0;
	s2 =	sadd.s32 $0x800, s8;
	s4 =	smul.u32 $0x4E20, s6  }
0x7: {  	s3 =	sadd.s32 $0x5C600, s8;
	p0 =	slt.u32 s6, $0x13;
	s6 =	simm.s32 $0x9C400  }
.Ltmp0:
0x8: {  	s6 =	simm.s32 @!p0 $0x0;
	s7 =	ssub.s32 $0xF4240, s4;
	(pc) =	sbr.rel .LBB2_1-.Ltmp0, $4  }
0x9: {  	s9 =	simm.s32 @!p0 $0x0;
	p0 =	sne.s32 s7, s6;
	s7 =	simm.s32 $0x1  }
0xa: {  	s8 =	sadd.s32 $0x7B000, s8;
	s6 =	simm.s32 $0x2;
	s7 =	simm.s32 @!p0 $0x0  }
0xb: {  	s11 =	smov.u32 s4;
	[sflag:s6] =	ssyncpa.u1 $0x0;
	s7 =	sadd.s32 s9, s7  }
0xc: {  	vm0 =	vmmov $0xffff;
	[sflag:s10] =	ssyncpa.u1 $0x0;
	s10 =	simm.s32 $0x0;
	s9 =	sadd.s32 $0x1, s7  }
.LBB2_4:
0xd: {  	v2 =	vnsel vm1, $0x0, v2  }
0xe: {  	vm1 =	vgt.s32 v0, $0x0;
	v2 =	vmin.u32 v2, $0xF423F  }
0xf: {  	v0 =	vnsel vm1, $0x0, v0  }
0x10: {  	v0 =	vmin.u32 v0, $0xF423F  }
0x11: {  	[tilespmem:s18], [sflag:$0x1] =	stream.indirect_vreg.gather [hbm4b:s2+s10], $0x1, v1, vm0, $0x4038;
	[tilespmem:$0x13880] =	vst v63  }
0x12: {  	(ifvalue) =	ssetifvalue $0x7FFFFFFF  }
0x13: {  	[tilespmem:s15], [sflag:$0x1] =	stream.indirect_vreg.gather [hbm4b:s2+s10], $0x1, v2, vm0, $0x4038;
	[tilespmem:$0x13880] =	vst v63  }
0x14: {  	s29 =	sadd.s32 $0x10, s15;
	(ifvalue) =	ssetifvalue $0x7FFFFFFF  }
0x15: {  	[tilespmem:s29], [sflag:$0x1] =	stream.indirect_vreg.gather [hbm4b:s2+s10], $0x1, v0, vm0, $0x4038;
	[tilespmem:$0x13880] =	vst v63  }
0x16: {  	_ =	swait.ge [sflag:s5], $0x4E20  }
0x17: {  	s30 =	sshrl.u32 s13, $0x3;
	[sflag:s5] =	ssyncset.done $0x0  }
0x18: {  	s31 =	sand.u32 $0x7, s13;
	s15 =	sadd.s32 s8, s30;
	[sflag:s5] =	ssyncadd.s32 $0xFFFFB1E0  }
0x19: {  	[hbm4b:s15+s31] =	stream.linear.scatter [tilespmem:s14], [sflag:$0x3], $0x4E20, $0x38;
	[tilespmem:$0x13880] =	vst v63  }
.LBB2_5:
0x1a: {  	s15 =	sadd.s32 $0x9C400, s11  }
0x1b: {  	p1 =	sgt.s32 s15, $0xF423F  }
0x1c: {  	s15 =	smov.u32 @p1 s4;
	p1 =	sne.s32 s12, s9  }
.Ltmp1:
0x1d: {  	p0 =	slt.u32 s12, $0x2;
	(pc) =	sbr.rel @!p1 .LBB2_6-.Ltmp1, $4  }
0x1e: {  	s14 =	simm.s32 @!p0 $0x3  }
0x1f: {  	_ =	swait.ge @!p0 [sflag:s14], $0x4E20  }
0x20: {  	s16 =	sadd.s32 $0x1, s12;
	s13 =	smov.u32 s11;
	[sflag:s14] =	ssyncset.done @!p0 $0x0  }
0x21: {  	s12 =	smov.u32 s16;
	s11 =	smov.u32 s15;
	[sflag:s14] =	ssyncadd.s32 @!p0 $0xFFFFB1E0  }
.LBB2_1:
0x22: {  	p0 =	sge.u32 s12, s7  }
0x23: {  	s14 =	sxor.u32 @!p0 $0x1, s12  }
0x24: {  	s14 =	smul.u32 @!p0 $0x13880, s14  }
0x25: {  	s31 =	sadd.s32 $0xFFFFFFFF, s12;
	s15 =	sshrl.u32 @!p0 s11, $0x3  }
0x26: {  	s16 =	sand.u32 @!p0 $0x7, s11;
	s15 =	sadd.s32 @!p0 s3, s15;
	s14 =	sshra.s32 @!p0 s14, $0x2  }
0x27: {  	[tilespmem:s14], [sflag:$0x2] =	stream.linear.gather @!p0 [hbm4b:s15+s16], $0x4E20, $0x38;
	[tilespmem:$0x13880] =	vst v63  }
0x28: {  	p0 =	sge.u32 s31, s7  }
.Ltmp2:
0x29: {  	_ = 	snop;
	(pc) =	sbr.rel @p0 .LBB2_5-.Ltmp2, $1  }
0x2a: {  	_ =	sdelay $0x3  }
0x2b: {  	s14 =	sand.u32 $0x1, s12  }
0x2c: {  	_ =	swait.ge [sflag:s6], $0x4E20;
	p0 =	seq.s32 s14, $0x1;
	s14 =	simm.s32 $0x4E20  }
0x2d: {  	[sflag:s6] =	ssyncset.done $0x0;
	s14 =	simm.s32 @!p0 $0x0  }
0x2e: {  	[sflag:s6] =	ssyncadd.s32 $0xFFFFB1E0;
	(ifvalue) =	ssetifvalue $0x7FFFFFFF;
	v0 =	vld.msk [tilespmem:s14+$0x0 ss:$0x1], $0xffff;
	_ =	sdelay $0x4  }
0x2f: {  	s15 =	sadd.s32 $0x10, s14;
	vm1 =	vgt.s32 v0, $0x0  }
0x30: {  	v2 =	vld.msk [tilespmem:s15+$0x0 ss:$0x1], $0xffff;
	v1 =	vnsel vm1, $0x0, v0  }
0x31: {  	v1 =	vmin.u32 v1, $0xF423F;
	_ =	sdelay $0x2  }
0x32: {  	s17 =	simm.s32 $0x20;
	s14 =	sadd.s32 $0x9C40, s14;
	s16 =	sadd.s32 $0x10, s15  }
0x33: {  	s15 =	sadd.s32 $0x10, s14;
	s18 =	smov.u32 s14;
	v0 =	vld.msk [tilespmem:s16+$0x0 ss:$0x1], $0xffff;
	vm1 =	vgt.s32 v2, $0x0;
	(ifvalue) =	ssetifvalue $0x7FFFFFFF  }
.LBB2_3:
0x34: {  	[tilespmem:s18], [sflag:$0x1] =	stream.indirect_vreg.gather [hbm4b:s2+s10], $0x1, v1, vm0, $0x4038;
	[tilespmem:$0x13880] =	vst v63  }
0x35: {  	s17 =	sadd.s32 $0x10, s17  }
0x36: {  	v2 =	vnsel vm1, $0x0, v2;
	p0 =	slt.u32 s17, $0x4E10  }
.Ltmp3:
0x37: {  	s18 =	smov.u32 s15;
	v1 =	vmin.u32 v2, $0xF423F;
	(pc) =	sbr.rel @p0 .LBB2_3-.Ltmp3, $3  }
0x38: {  	_ =	sdelay $0x1  }
0x39: {  	s16 =	sadd.s32 $0x10, s16  }
0x3a: {  	vm1 =	vgt.s32 v0, $0x0;
	s15 =	sadd.s32 $0x10, s15;
	v2 =	vmov v0;
	(ifvalue) =	ssetifvalue $0x7FFFFFFF;
	v0 =	vld.msk [tilespmem:s16+$0x0 ss:$0x1], $0xffff  }
.Ltmp4:
0x3b: {  	_ = 	snop;
	(pc) =	sbr.rel .LBB2_4-.Ltmp4, $1  }
0x3c: {  	_ =	sdelay $0x3  }
.LBB2_6:
0x3d: {  	_ =	sfence.sel $0x180000  }
0x3e: {  	s2 =	simm.s32 $0x2;
	[bflag:$0x0] =	sbarrier.arrive $0xFFFF  }
0x3f: {  	s30 =	simm.s32 $0x3;
	[sflag:s2] =	ssyncpa.u1 $0x1  }
0x40: {  	s31 =	simm.s32 $0x1;
	[sflag:s30] =	ssyncpa.u1 $0x1  }
0x41: {  	[sflag:s31] =	ssyncpa.u1 $0x1  }
0x42: {  	p0 =	sne.s32 s1, $0x0;
	_ =	strace $0x90000047  }
0x43: {  	s0 =	sadd.s32 @!p0 $0x100000, s0;
	[bflag:$0x2] =	sbarrier.arrive $0xFFFF  }
0x44: {  	[sflag:s0] =	ssyncadd.tile.s32 @!p0 $0x1;
	_ =	shalt  }
.Lfunc_end2:
_tile_overlayer_lowered:
.L_overlay_start_2:
0x45: {  	(tag) =	ssettag $0x2  }
0x46: {  	s0 =	rddreg [dreg:$0x0];
	s2 =	stileid.u32  }
0x47: {  	s1 =	rddreg [dreg:$0x1];
	p0 =	sne.s32 s2, $0x0  }
0x48: {  	s3 =	rddreg [dreg:$0x2];
	[bflag:$0x3] =	sbarrier.arrive $0xFFFF;
	s2 =	simm.s32 @!p0 $0x1C01  }
0x49: {  	[timem:s3], [sflag:s2] =	dma.local @!p0 [hbm:s0], s1  }
0x4a: {  	s0 =	simm.s32 @!p0 $0x1  }
0x4b: {  	_ =	swait.ge @!p0 [sflag:s0], s1  }
0x4c: {  	s1 =	ssub.s32 @!p0 $0x0, s1;
	[sflag:s0] =	ssyncset.done @!p0 $0x0  }
0x4d: {  	[sflag:s0] =	ssyncadd.s32 @!p0 s1  }
0x4e: {  	[bflag:$0x3] =	sbarrier.arrive $0xFFFF  }
0x4f: {  	_ =	shalt  }

</sc_bundles>
